<compile_context>
chip_gen: v7x
topology: tpu7x:2x2x1
jax: 0.10.2.dev20260603
libtpu: 0.0.44.dev20260713+nightly
codegen_flags: <defaults>
</compile_context>

<pallas_src>
import functools

import jax
import jax.numpy as jnp
from jax import lax
from jax.experimental import pallas as pl
from jax.experimental.pallas import tpu as pltpu
from jax.experimental.pallas import tpu_sc as plsc

N = 10000
E = 320000
D = 128

NC = 2
NS = 16
NT = NC * NS

SB = 128
NBATCH = 98
FAST_C = 1
NB_SLOW = 59
NDUMMY = NBATCH - NB_SLOW
NB_REAL = NS * (NBATCH + NB_SLOW)
EPT = SB * NBATCH
EP = NB_REAL * SB

NPAD = 10016
ROWS_PER_TILE = 640
NACC = NS * ROWS_PER_TILE

ROW_BLK = 128
N_BLKS = (N + ROW_BLK - 1) // ROW_BLK

_mesh = plsc.VectorSubcoreMesh(
    core_axis_name="c", subcore_axis_name="s", num_cores=NC, num_subcores=NS
)


@functools.partial(
    pl.kernel,
    out_type=jax.ShapeDtypeStruct((NT, NPAD), jnp.float32),
    mesh=_mesh,
    scratch_types=[
        pltpu.VMEM((EPT,), jnp.int32),
        pltpu.VMEM((NPAD,), jnp.float32),
    ],
    compiler_params=pltpu.CompilerParams(needs_layout_passes=False),
)
def _deg_kernel(col_hbm, zero_hbm, degp_hbm, col_v, deg_v):
    c = lax.axis_index("c")
    s = lax.axis_index("s")
    wid = s * NC + c
    pltpu.sync_copy(col_hbm.at[pl.ds(wid * EPT, EPT)], col_v)
    pltpu.sync_copy(zero_hbm, deg_v)

    ones = jnp.ones((16,), jnp.float32)

    def body(i, carry):
        idx = col_v[pl.ds(i * 16, 16)]
        plsc.addupdate_scatter(deg_v, [idx], ones)
        return carry

    lax.fori_loop(0, EPT // 16, body, 0)
    pltpu.sync_copy(deg_v, degp_hbm.at[wid])


def _mm_body(x_ref, w_ref, degp_ref, g_ref):
    deg = jnp.sum(degp_ref[...], axis=0) + 1.0
    dinv = lax.rsqrt(deg)
    h = jnp.dot(x_ref[...], w_ref[...], preferred_element_type=jnp.float32)
    g_ref[...] = dinv[:, None] * h


def _run_mm(x, W, degp):
    return pl.pallas_call(
        _mm_body,
        grid=(N_BLKS,),
        in_specs=[
            pl.BlockSpec((ROW_BLK, D), lambda i: (i, 0)),
            pl.BlockSpec((D, D), lambda i: (0, 0)),
            pl.BlockSpec((NT, ROW_BLK), lambda i: (0, i)),
        ],
        out_specs=pl.BlockSpec((ROW_BLK, D), lambda i: (i, 0)),
        out_shape=jax.ShapeDtypeStruct((N, D), jnp.float32),
    )(x, W, degp)


@functools.partial(
    pl.kernel,
    out_type=jax.ShapeDtypeStruct((NC, NACC, D), jnp.float32),
    mesh=_mesh,
    scratch_types=[
        pltpu.VMEM((EPT,), jnp.int32),
        pltpu.VMEM((NBATCH, SB), jnp.int32),
        pltpu.VMEM((SB, D), jnp.float32),
        pltpu.SemaphoreType.DMA,
        pltpu.VMEM_SHARED((NACC, D), jnp.float32),
    ],
    compiler_params=pltpu.CompilerParams(needs_layout_passes=False),
)
def _scatter_kernel(row_hbm, col_hbm, g_hbm, zrows_hbm, accp_hbm,
                    row_v, col_v, gbuf, sem, acc):
    c = lax.axis_index("c")
    s = lax.axis_index("s")
    wid = s * NC + c
    pltpu.sync_copy(row_hbm.at[pl.ds(wid * EPT, EPT)], row_v)
    pltpu.sync_copy(col_hbm.at[wid], col_v)
    pltpu.sync_copy(zrows_hbm, acc.at[pl.ds(s * ROWS_PER_TILE, ROWS_PER_TILE)])
    plsc.subcore_barrier()

    gsrc = g_hbm.at[c]

    def body(j, carry):
        pltpu.async_copy(
            gsrc.at[row_v.at[pl.ds(j * SB, SB)]], gbuf, sem
        ).wait()
        pltpu.sync_copy(gbuf, acc.at[col_v.at[j]], add=True)
        return carry

    lax.fori_loop(0, NBATCH, body, 0)
    plsc.subcore_barrier()
    pltpu.sync_copy(
        acc.at[pl.ds(s * ROWS_PER_TILE, ROWS_PER_TILE)],
        accp_hbm.at[c, pl.ds(s * ROWS_PER_TILE, ROWS_PER_TILE)],
    )


def _final_body(accp_ref, g_ref, degp_ref, b_ref, out_ref):
    deg = jnp.sum(degp_ref[...], axis=0) + 1.0
    dinv = lax.rsqrt(deg)
    acc = accp_ref[0] + accp_ref[1] + g_ref[...]
    out_ref[...] = dinv[:, None] * acc + b_ref[...]


def _run_final(accp, g, degp, b2d):
    return pl.pallas_call(
        _final_body,
        grid=(N_BLKS,),
        in_specs=[
            pl.BlockSpec((NC, ROW_BLK, D), lambda i: (0, i, 0)),
            pl.BlockSpec((ROW_BLK, D), lambda i: (i, 0)),
            pl.BlockSpec((NT, ROW_BLK), lambda i: (0, i)),
            pl.BlockSpec((1, D), lambda i: (0, 0)),
        ],
        out_specs=pl.BlockSpec((ROW_BLK, D), lambda i: (i, 0)),
        out_shape=jax.ShapeDtypeStruct((N, D), jnp.float32),
    )(accp, g, degp, b2d)


def kernel(x, edge_index, W, b):
    row = edge_index[0].astype(jnp.int32)
    col = edge_index[1].astype(jnp.int32)
    pad = EP - E
    row_r = jnp.concatenate([row, jnp.zeros((pad,), jnp.int32)]).reshape(-1, SB)
    col_r = jnp.concatenate([col, jnp.full((pad,), N, jnp.int32)]).reshape(-1, SB)
    rdum = jnp.zeros((NDUMMY, SB), jnp.int32)
    cdum = jnp.full((NDUMMY, SB), N, jnp.int32)
    rblocks, cblocks = [], []
    ir = 0
    for w in range(NT):
        take = NBATCH if (w % NC) == FAST_C else NB_SLOW
        rblocks.append(row_r[ir:ir + take])
        cblocks.append(col_r[ir:ir + take])
        if take == NB_SLOW:
            rblocks.append(rdum)
            cblocks.append(cdum)
        ir += take
    row_p = jnp.concatenate(rblocks).reshape(-1)
    col_p = jnp.concatenate(cblocks).reshape(-1)
    col3 = col_p.reshape(NT, NBATCH, SB)

    zero_hist = jnp.zeros((NPAD,), jnp.float32)
    zrows = jnp.zeros((ROWS_PER_TILE, D), jnp.float32)

    degp = _deg_kernel(col_p, zero_hist)
    g = _run_mm(x, W, degp)
    g2 = jnp.stack([g, g])
    accp = _scatter_kernel(row_p, col3, g2, zrows)
    out = _run_final(accp, g, degp, b.reshape(1, D))
    return out

# --- scband reference (transcript-rebuilt; emitter-appended) ---
"""Pipeline reference for scband-stfnconv-89687507076371 (READ-ONLY COPY).

The authoritative reference and input builder live on the scoring server;
editing this copy changes nothing except your own understanding.
"""

import jax, jax.numpy as jnp
import numpy as np

N_NODES = 10000
N_EDGES = 320000
D_IN = 128
D_OUT = 128


def setup_inputs(seed: int = 0) -> dict:
    key = jax.random.key(seed)
    k1, k2, k3, k4 = jax.random.split(key, 4)
    x = jax.random.normal(k1, (N_NODES, D_IN), dtype=jnp.float32)
    edge_index = jax.random.randint(k2, (2, N_EDGES), 0, N_NODES, dtype=jnp.int64)
    # GCNConv linear weight (glorot) and bias
    limit = float(np.sqrt(6.0 / (D_IN + D_OUT)))
    W = jax.random.uniform(k3, (D_IN, D_OUT), minval=-limit, maxval=limit, dtype=jnp.float32)
    b = jnp.zeros((D_OUT,), dtype=jnp.float32)
    return {"x": x, "edge_index": edge_index, "W": W, "b": b}


def reference(x, edge_index, W, b):
    # Faithful GCNConv forward (normalize=True, add_self_loops=True, bias=True)
    N = x.shape[0]
    row = edge_index[0]
    col = edge_index[1]
    # add self-loops with edge weight 1
    loop = jnp.arange(N, dtype=edge_index.dtype)
    row = jnp.concatenate([row, loop], axis=0)
    col = jnp.concatenate([col, loop], axis=0)
    ew = jnp.ones(row.shape[0], dtype=x.dtype)
    # symmetric normalization: D^{-1/2} A D^{-1/2}
    deg = jnp.zeros((N,), dtype=x.dtype).at[col].add(ew)
    deg_inv_sqrt = jnp.where(deg > 0, deg ** -0.5, 0.0)
    norm = deg_inv_sqrt[row] * ew * deg_inv_sqrt[col]
    # linear transform (no bias in lin; bias added after aggregation)
    h = x @ W
    # message = norm * h[src]; aggregate (scatter-add) at dst
    msg = norm[:, None] * jnp.take(h, row, axis=0)
    out = jnp.zeros((N, h.shape[1]), dtype=h.dtype).at[col].add(msg)
    out = out + b
    return out

if __name__ == "__main__":
    import jax
    _d = setup_inputs()
    print(jax.jit(kernel)(*tuple(_d.values())))

</pallas_src>

<mosaic_0001>
#map = affine_map<(d0, d1) -> (0)>
#map1 = affine_map<(d0, d1) -> (0, 0)>
module attributes {stable_mosaic.version = 14 : i64} {
  func.func @_deg_kernel(%arg0: i32, %arg1: i32, %arg2: memref<401408xi32, #tpu.memory_space<hbm>>, %arg3: memref<10016xf32, #tpu.memory_space<hbm>>, %arg4: memref<32x10016xf32, #tpu.memory_space<hbm>>, %arg5: memref<12544xi32, #tpu.memory_space<vmem>>, %arg6: memref<10016xf32, #tpu.memory_space<vmem>>) attributes {dimension_semantics = [#tpu.dimension_semantics<core_parallel>, #tpu.dimension_semantics<subcore_parallel>], iteration_bounds = array<i64: 2, 16>, scalar_prefetch = 0 : i64, scratch_operands = 2 : i64, tpu.core_type = #tpu.core_type<sc_vector_subcore>, window_params = [{transform_indices = #map}, {transform_indices = #map}, {transform_indices = #map1}]} {
    %mul3A = arith.constant 2 : i32
    %mul3A_0 = arith.muli %arg1, %mul3A : i32
    %add3A = arith.addi %mul3A_0, %arg0 : i32
    %mul3A_1 = arith.constant 12544 : i32
    %mul3A_2 = arith.muli %add3A, %mul3A_1 : i32
    "tpu.region"() ({
      %run_scoped3A = tpu.sem_alloc : memref<!tpu.dma_semaphore, #tpu.memory_space<semaphore_mem>>
      %dma_start3A = tpu.memref_slice %arg2[%mul3A_2] : memref<401408xi32, #tpu.memory_space<hbm>> -> memref<12544xi32, #tpu.memory_space<hbm>>
      %dma_start3A_9 = tpu.memref_slice %arg2[%mul3A_2] : memref<401408xi32, #tpu.memory_space<hbm>> -> memref<12544xi32, #tpu.memory_space<hbm>>
      tpu.enqueue_dma source(%dma_start3A_9 : memref<12544xi32, #tpu.memory_space<hbm>>) target(%arg5 : memref<12544xi32, #tpu.memory_space<vmem>>) target_semaphore(%run_scoped3A : memref<!tpu.dma_semaphore, #tpu.memory_space<semaphore_mem>>)
      %dma_wait3A = tpu.memref_slice %arg2[%mul3A_2] : memref<401408xi32, #tpu.memory_space<hbm>> -> memref<12544xi32, #tpu.memory_space<hbm>>
      %dma_wait3A_10 = tpu.memref_slice %arg2[%mul3A_2] : memref<401408xi32, #tpu.memory_space<hbm>> -> memref<12544xi32, #tpu.memory_space<hbm>>
      tpu.wait_dma2 semaphore(%run_scoped3A : memref<!tpu.dma_semaphore, #tpu.memory_space<semaphore_mem>>) src(%dma_wait3A_10 : memref<12544xi32, #tpu.memory_space<hbm>>) dst(%arg5 : memref<12544xi32, #tpu.memory_space<vmem>>)
      tpu.yield
    }) : () -> ()
    "tpu.region"() ({
      %run_scoped3A = tpu.sem_alloc : memref<!tpu.dma_semaphore, #tpu.memory_space<semaphore_mem>>
      tpu.enqueue_dma source(%arg3 : memref<10016xf32, #tpu.memory_space<hbm>>) target(%arg6 : memref<10016xf32, #tpu.memory_space<vmem>>) target_semaphore(%run_scoped3A : memref<!tpu.dma_semaphore, #tpu.memory_space<semaphore_mem>>)
      tpu.wait_dma2 semaphore(%run_scoped3A : memref<!tpu.dma_semaphore, #tpu.memory_space<semaphore_mem>>) src(%arg3 : memref<10016xf32, #tpu.memory_space<hbm>>) dst(%arg6 : memref<10016xf32, #tpu.memory_space<vmem>>)
      tpu.yield
    }) : () -> ()
    %broadcast_in_dim3A = arith.constant 1.000000e+00 : f32
    %broadcast_in_dim3A_3 = vector.broadcast %broadcast_in_dim3A : f32 to vector<16xf32>
    %scan3A = arith.constant 0 : i32
    %scan3A_4 = arith.constant 0 : i32
    %scan3A_5 = arith.constant 784 : i32
    %scan3A_6 = arith.addi %scan3A_4, %scan3A_5 : i32
    %scan3A_7 = arith.constant 1 : i32
    scf.for %scan3A_9 = %scan3A_4 to %scan3A_6 step %scan3A_7  : i32 {
      %mul3A_10 = arith.constant 16 : i32
      %mul3A_11 = arith.muli %scan3A_9, %mul3A_10 : i32
      %get3A = arith.index_cast %mul3A_11 : i32 to index
      %get3A_12 = tpu.vector_load %arg5[%get3A] {strides = array<i32>} : memref<12544xi32, #tpu.memory_space<vmem>>, vector<16xi32>,
      tpu.vector_store_idx %arg6[%get3A_12], %broadcast_in_dim3A_3 {add = true} : memref<10016xf32, #tpu.memory_space<vmem>>[vector<16xi32>], vector<16xf32>,
    }
    %scan3A_8 = arith.constant 784 : i32
    "tpu.region"() ({
      %run_scoped3A = tpu.sem_alloc : memref<!tpu.dma_semaphore, #tpu.memory_space<semaphore_mem>>
      %dma_start3A = arith.constant 0 : i32
      %dma_start3A_9 = tpu.memref_slice %arg4[%add3A, %dma_start3A] : memref<32x10016xf32, #tpu.memory_space<hbm>> -> memref<1x10016xf32, #tpu.memory_space<hbm>>
      %dma_start3A_10 = tpu.memref_squeeze %dma_start3A_9 : memref<1x10016xf32, #tpu.memory_space<hbm>> -> memref<10016xf32, #tpu.memory_space<hbm>>
      %dma_start3A_11 = arith.constant 0 : i32
      %dma_start3A_12 = tpu.memref_slice %arg4[%add3A, %dma_start3A_11] : memref<32x10016xf32, #tpu.memory_space<hbm>> -> memref<1x10016xf32, #tpu.memory_space<hbm>>
      %dma_start3A_13 = tpu.memref_squeeze %dma_start3A_12 : memref<1x10016xf32, #tpu.memory_space<hbm>> -> memref<10016xf32, #tpu.memory_space<hbm>>
      tpu.enqueue_dma source(%arg6 : memref<10016xf32, #tpu.memory_space<vmem>>) target(%dma_start3A_13 : memref<10016xf32, #tpu.memory_space<hbm>>) target_semaphore(%run_scoped3A : memref<!tpu.dma_semaphore, #tpu.memory_space<semaphore_mem>>)
      %dma_wait3A = arith.constant 0 : i32
      %dma_wait3A_14 = tpu.memref_slice %arg4[%add3A, %dma_wait3A] : memref<32x10016xf32, #tpu.memory_space<hbm>> -> memref<1x10016xf32, #tpu.memory_space<hbm>>
      %dma_wait3A_15 = tpu.memref_squeeze %dma_wait3A_14 : memref<1x10016xf32, #tpu.memory_space<hbm>> -> memref<10016xf32, #tpu.memory_space<hbm>>
      %dma_wait3A_16 = arith.constant 0 : i32
      %dma_wait3A_17 = tpu.memref_slice %arg4[%add3A, %dma_wait3A_16] : memref<32x10016xf32, #tpu.memory_space<hbm>> -> memref<1x10016xf32, #tpu.memory_space<hbm>>
      %dma_wait3A_18 = tpu.memref_squeeze %dma_wait3A_17 : memref<1x10016xf32, #tpu.memory_space<hbm>> -> memref<10016xf32, #tpu.memory_space<hbm>>
      tpu.wait_dma2 semaphore(%run_scoped3A : memref<!tpu.dma_semaphore, #tpu.memory_space<semaphore_mem>>) src(%arg6 : memref<10016xf32, #tpu.memory_space<vmem>>) dst(%dma_wait3A_18 : memref<10016xf32, #tpu.memory_space<hbm>>)
      tpu.yield
    }) : () -> ()
    return
  }
}

#map = affine_map<(d0, d1) -> (0)>
#map1 = affine_map<(d0, d1) -> (0, 0, 0)>
#map2 = affine_map<(d0, d1) -> (0, 0)>
module attributes {stable_mosaic.version = 14 : i64} {
  func.func @_scatter_kernel(%arg0: i32, %arg1: i32, %arg2: memref<401408xi32, #tpu.memory_space<hbm>>, %arg3: memref<32x98x128xi32, #tpu.memory_space<hbm>>, %arg4: memref<2x10000x128xf32, #tpu.memory_space<hbm>>, %arg5: memref<640x128xf32, #tpu.memory_space<hbm>>, %arg6: memref<2x10240x128xf32, #tpu.memory_space<hbm>>, %arg7: memref<12544xi32, #tpu.memory_space<vmem>>, %arg8: memref<98x128xi32, #tpu.memory_space<vmem>>, %arg9: memref<128x128xf32, #tpu.memory_space<vmem>>, %arg10: memref<!tpu.dma_semaphore, #tpu.memory_space<semaphore_mem>>, %arg11: memref<10240x128xf32, #tpu.memory_space<vmem_shared>>) attributes {dimension_semantics = [#tpu.dimension_semantics<core_parallel>, #tpu.dimension_semantics<subcore_parallel>], iteration_bounds = array<i64: 2, 16>, scalar_prefetch = 0 : i64, scratch_operands = 5 : i64, tpu.core_type = #tpu.core_type<sc_vector_subcore>, window_params = [{transform_indices = #map}, {transform_indices = #map1}, {transform_indices = #map1}, {transform_indices = #map2}, {transform_indices = #map1}]} {
    %mul3A = arith.constant 2 : i32
    %mul3A_0 = arith.muli %arg1, %mul3A : i32
    %add3A = arith.addi %mul3A_0, %arg0 : i32
    %mul3A_1 = arith.constant 12544 : i32
    %mul3A_2 = arith.muli %add3A, %mul3A_1 : i32
    "tpu.region"() ({
      %run_scoped3A = tpu.sem_alloc : memref<!tpu.dma_semaphore, #tpu.memory_space<semaphore_mem>>
      %dma_start3A = tpu.memref_slice %arg2[%mul3A_2] : memref<401408xi32, #tpu.memory_space<hbm>> -> memref<12544xi32, #tpu.memory_space<hbm>>
      %dma_start3A_15 = tpu.memref_slice %arg2[%mul3A_2] : memref<401408xi32, #tpu.memory_space<hbm>> -> memref<12544xi32, #tpu.memory_space<hbm>>
      tpu.enqueue_dma source(%dma_start3A_15 : memref<12544xi32, #tpu.memory_space<hbm>>) target(%arg7 : memref<12544xi32, #tpu.memory_space<vmem>>) target_semaphore(%run_scoped3A : memref<!tpu.dma_semaphore, #tpu.memory_space<semaphore_mem>>)
      %dma_wait3A = tpu.memref_slice %arg2[%mul3A_2] : memref<401408xi32, #tpu.memory_space<hbm>> -> memref<12544xi32, #tpu.memory_space<hbm>>
      %dma_wait3A_16 = tpu.memref_slice %arg2[%mul3A_2] : memref<401408xi32, #tpu.memory_space<hbm>> -> memref<12544xi32, #tpu.memory_space<hbm>>
      tpu.wait_dma2 semaphore(%run_scoped3A : memref<!tpu.dma_semaphore, #tpu.memory_space<semaphore_mem>>) src(%dma_wait3A_16 : memref<12544xi32, #tpu.memory_space<hbm>>) dst(%arg7 : memref<12544xi32, #tpu.memory_space<vmem>>)
      tpu.yield
    }) : () -> ()
    "tpu.region"() ({
      %run_scoped3A = tpu.sem_alloc : memref<!tpu.dma_semaphore, #tpu.memory_space<semaphore_mem>>
      %dma_start3A = arith.constant 0 : i32
      %dma_start3A_15 = arith.constant 0 : i32
      %dma_start3A_16 = tpu.memref_slice %arg3[%add3A, %dma_start3A, %dma_start3A_15] : memref<32x98x128xi32, #tpu.memory_space<hbm>> -> memref<1x98x128xi32, #tpu.memory_space<hbm>>
      %dma_start3A_17 = tpu.memref_squeeze %dma_start3A_16 : memref<1x98x128xi32, #tpu.memory_space<hbm>> -> memref<98x128xi32, #tpu.memory_space<hbm>>
      %dma_start3A_18 = arith.constant 0 : i32
      %dma_start3A_19 = arith.constant 0 : i32
      %dma_start3A_20 = tpu.memref_slice %arg3[%add3A, %dma_start3A_18, %dma_start3A_19] : memref<32x98x128xi32, #tpu.memory_space<hbm>> -> memref<1x98x128xi32, #tpu.memory_space<hbm>>
      %dma_start3A_21 = tpu.memref_squeeze %dma_start3A_20 : memref<1x98x128xi32, #tpu.memory_space<hbm>> -> memref<98x128xi32, #tpu.memory_space<hbm>>
      tpu.enqueue_dma source(%dma_start3A_21 : memref<98x128xi32, #tpu.memory_space<hbm>>) target(%arg8 : memref<98x128xi32, #tpu.memory_space<vmem>>) target_semaphore(%run_scoped3A : memref<!tpu.dma_semaphore, #tpu.memory_space<semaphore_mem>>)
      %dma_wait3A = arith.constant 0 : i32
      %dma_wait3A_22 = arith.constant 0 : i32
      %dma_wait3A_23 = tpu.memref_slice %arg3[%add3A, %dma_wait3A, %dma_wait3A_22] : memref<32x98x128xi32, #tpu.memory_space<hbm>> -> memref<1x98x128xi32, #tpu.memory_space<hbm>>
      %dma_wait3A_24 = tpu.memref_squeeze %dma_wait3A_23 : memref<1x98x128xi32, #tpu.memory_space<hbm>> -> memref<98x128xi32, #tpu.memory_space<hbm>>
      %dma_wait3A_25 = arith.constant 0 : i32
      %dma_wait3A_26 = arith.constant 0 : i32
      %dma_wait3A_27 = tpu.memref_slice %arg3[%add3A, %dma_wait3A_25, %dma_wait3A_26] : memref<32x98x128xi32, #tpu.memory_space<hbm>> -> memref<1x98x128xi32, #tpu.memory_space<hbm>>
      %dma_wait3A_28 = tpu.memref_squeeze %dma_wait3A_27 : memref<1x98x128xi32, #tpu.memory_space<hbm>> -> memref<98x128xi32, #tpu.memory_space<hbm>>
      tpu.wait_dma2 semaphore(%run_scoped3A : memref<!tpu.dma_semaphore, #tpu.memory_space<semaphore_mem>>) src(%dma_wait3A_28 : memref<98x128xi32, #tpu.memory_space<hbm>>) dst(%arg8 : memref<98x128xi32, #tpu.memory_space<vmem>>)
      tpu.yield
    }) : () -> ()
    %mul3A_3 = arith.constant 640 : i32
    %mul3A_4 = arith.muli %arg1, %mul3A_3 : i32
    "tpu.region"() ({
      %run_scoped3A = tpu.sem_alloc : memref<!tpu.dma_semaphore, #tpu.memory_space<semaphore_mem>>
      %dma_start3A = arith.constant 0 : i32
      %dma_start3A_15 = tpu.memref_slice %arg11[%mul3A_4, %dma_start3A] : memref<10240x128xf32, #tpu.memory_space<vmem_shared>> -> memref<640x128xf32, #tpu.memory_space<vmem_shared>>
      tpu.enqueue_dma source(%arg5 : memref<640x128xf32, #tpu.memory_space<hbm>>) target(%dma_start3A_15 : memref<640x128xf32, #tpu.memory_space<vmem_shared>>) target_semaphore(%run_scoped3A : memref<!tpu.dma_semaphore, #tpu.memory_space<semaphore_mem>>)
      %dma_wait3A = arith.constant 0 : i32
      %dma_wait3A_16 = tpu.memref_slice %arg11[%mul3A_4, %dma_wait3A] : memref<10240x128xf32, #tpu.memory_space<vmem_shared>> -> memref<640x128xf32, #tpu.memory_space<vmem_shared>>
      tpu.wait_dma2 semaphore(%run_scoped3A : memref<!tpu.dma_semaphore, #tpu.memory_space<semaphore_mem>>) src(%arg5 : memref<640x128xf32, #tpu.memory_space<hbm>>) dst(%dma_wait3A_16 : memref<640x128xf32, #tpu.memory_space<vmem_shared>>)
      tpu.yield
    }) : () -> ()
    %barrier3A = arith.constant 0 : index
    tpu.barrier barrier_id(%barrier3A)
    %scan3A = arith.constant 0 : i32
    %scan3A_5 = arith.constant 0 : i32
    %scan3A_6 = arith.constant 98 : i32
    %scan3A_7 = arith.addi %scan3A_5, %scan3A_6 : i32
    %scan3A_8 = arith.constant 1 : i32
    scf.for %scan3A_15 = %scan3A_5 to %scan3A_7 step %scan3A_8  : i32 {
      %mul3A_16 = arith.constant 128 : i32
      %mul3A_17 = arith.muli %scan3A_15, %mul3A_16 : i32
      %dma_start3A = tpu.memref_slice %arg7[%mul3A_17] : memref<12544xi32, #tpu.memory_space<vmem>> -> memref<128xi32, #tpu.memory_space<vmem>>
      %dma_start3A_18 = arith.constant 0 : i32
      %dma_start3A_19 = arith.constant 0 : i32
      %dma_start3A_20 = tpu.memref_slice %arg4[%arg0, %dma_start3A_18, %dma_start3A_19] : memref<2x10000x128xf32, #tpu.memory_space<hbm>> -> memref<1x10000x128xf32, #tpu.memory_space<hbm>>
      %dma_start3A_21 = tpu.memref_squeeze %dma_start3A_20 : memref<1x10000x128xf32, #tpu.memory_space<hbm>> -> memref<10000x128xf32, #tpu.memory_space<hbm>>
      %dma_start3A_22 = arith.constant 0 : i32
      %dma_start3A_23 = arith.constant 0 : i32
      %dma_start3A_24 = tpu.memref_slice %dma_start3A_21[%dma_start3A_22, %dma_start3A_23] : memref<10000x128xf32, #tpu.memory_space<hbm>> -> memref<10000x128xf32, #tpu.memory_space<hbm>>
      tpu.enqueue_indirect_dma source(%dma_start3A_24 : memref<10000x128xf32, #tpu.memory_space<hbm>>) target(%arg9 : memref<128x128xf32, #tpu.memory_space<vmem>>) offsets(%dma_start3A : memref<128xi32, #tpu.memory_space<vmem>>) semaphore(%arg10 : memref<!tpu.dma_semaphore, #tpu.memory_space<semaphore_mem>>)
      %dma_wait3A = tpu.memref_slice %arg7[%mul3A_17] : memref<12544xi32, #tpu.memory_space<vmem>> -> memref<128xi32, #tpu.memory_space<vmem>>
      %dma_wait3A_25 = arith.constant 0 : i32
      %dma_wait3A_26 = arith.constant 0 : i32
      %dma_wait3A_27 = tpu.memref_slice %arg4[%arg0, %dma_wait3A_25, %dma_wait3A_26] : memref<2x10000x128xf32, #tpu.memory_space<hbm>> -> memref<1x10000x128xf32, #tpu.memory_space<hbm>>
      %dma_wait3A_28 = tpu.memref_squeeze %dma_wait3A_27 : memref<1x10000x128xf32, #tpu.memory_space<hbm>> -> memref<10000x128xf32, #tpu.memory_space<hbm>>
      %dma_wait3A_29 = arith.constant 0 : i32
      %dma_wait3A_30 = arith.constant 0 : i32
      %dma_wait3A_31 = tpu.memref_slice %dma_wait3A_28[%dma_wait3A_29, %dma_wait3A_30] : memref<10000x128xf32, #tpu.memory_space<hbm>> -> memref<10000x128xf32, #tpu.memory_space<hbm>>
      tpu.wait_indirect_dma semaphore(%arg10 : memref<!tpu.dma_semaphore, #tpu.memory_space<semaphore_mem>>) src(%dma_wait3A_31 : memref<10000x128xf32, #tpu.memory_space<hbm>>) dst(%arg9 : memref<128x128xf32, #tpu.memory_space<vmem>>)
      "tpu.region"() ({
        %run_scoped3A = tpu.sem_alloc : memref<!tpu.dma_semaphore, #tpu.memory_space<semaphore_mem>>
        %dma_start3A_32 = arith.constant 0 : i32
        %dma_start3A_33 = tpu.memref_slice %arg8[%scan3A_15, %dma_start3A_32] : memref<98x128xi32, #tpu.memory_space<vmem>> -> memref<1x128xi32, #tpu.memory_space<vmem>>
        %dma_start3A_34 = tpu.memref_squeeze %dma_start3A_33 : memref<1x128xi32, #tpu.memory_space<vmem>> -> memref<128xi32, #tpu.memory_space<vmem>>
        %dma_start3A_35 = arith.constant 0 : i32
        %dma_start3A_36 = arith.constant 0 : i32
        %dma_start3A_37 = tpu.memref_slice %arg11[%dma_start3A_35, %dma_start3A_36] : memref<10240x128xf32, #tpu.memory_space<vmem_shared>> -> memref<10240x128xf32, #tpu.memory_space<vmem_shared>>
        tpu.enqueue_indirect_dma source(%arg9 : memref<128x128xf32, #tpu.memory_space<vmem>>) target(%dma_start3A_37 : memref<10240x128xf32, #tpu.memory_space<vmem_shared>>) offsets(%dma_start3A_34 : memref<128xi32, #tpu.memory_space<vmem>>) semaphore(%run_scoped3A : memref<!tpu.dma_semaphore, #tpu.memory_space<semaphore_mem>>) {add = true}
        %dma_wait3A_38 = arith.constant 0 : i32
        %dma_wait3A_39 = tpu.memref_slice %arg8[%scan3A_15, %dma_wait3A_38] : memref<98x128xi32, #tpu.memory_space<vmem>> -> memref<1x128xi32, #tpu.memory_space<vmem>>
        %dma_wait3A_40 = tpu.memref_squeeze %dma_wait3A_39 : memref<1x128xi32, #tpu.memory_space<vmem>> -> memref<128xi32, #tpu.memory_space<vmem>>
        %dma_wait3A_41 = arith.constant 0 : i32
        %dma_wait3A_42 = arith.constant 0 : i32
        %dma_wait3A_43 = tpu.memref_slice %arg11[%dma_wait3A_41, %dma_wait3A_42] : memref<10240x128xf32, #tpu.memory_space<vmem_shared>> -> memref<10240x128xf32, #tpu.memory_space<vmem_shared>>
        tpu.wait_indirect_dma semaphore(%run_scoped3A : memref<!tpu.dma_semaphore, #tpu.memory_space<semaphore_mem>>) src(%arg9 : memref<128x128xf32, #tpu.memory_space<vmem>>) dst(%dma_wait3A_43 : memref<10240x128xf32, #tpu.memory_space<vmem_shared>>)
        tpu.yield
      }) : () -> ()
    }
    %scan3A_9 = arith.constant 98 : i32
    %barrier3A_10 = arith.constant 0 : index
    tpu.barrier barrier_id(%barrier3A_10)
    %mul3A_11 = arith.constant 640 : i32
    %mul3A_12 = arith.muli %arg1, %mul3A_11 : i32
    %mul3A_13 = arith.constant 640 : i32
    %mul3A_14 = arith.muli %arg1, %mul3A_13 : i32
    "tpu.region"() ({
      %run_scoped3A = tpu.sem_alloc : memref<!tpu.dma_semaphore, #tpu.memory_space<semaphore_mem>>
      %dma_start3A = arith.constant 0 : i32
      %dma_start3A_15 = tpu.memref_slice %arg6[%arg0, %mul3A_14, %dma_start3A] : memref<2x10240x128xf32, #tpu.memory_space<hbm>> -> memref<1x640x128xf32, #tpu.memory_space<hbm>>
      %dma_start3A_16 = tpu.memref_squeeze %dma_start3A_15 : memref<1x640x128xf32, #tpu.memory_space<hbm>> -> memref<640x128xf32, #tpu.memory_space<hbm>>
      %dma_start3A_17 = arith.constant 0 : i32
      %dma_start3A_18 = tpu.memref_slice %arg11[%mul3A_12, %dma_start3A_17] : memref<10240x128xf32, #tpu.memory_space<vmem_shared>> -> memref<640x128xf32, #tpu.memory_space<vmem_shared>>
      tpu.enqueue_dma source(%dma_start3A_18 : memref<640x128xf32, #tpu.memory_space<vmem_shared>>) target(%dma_start3A_16 : memref<640x128xf32, #tpu.memory_space<hbm>>) target_semaphore(%run_scoped3A : memref<!tpu.dma_semaphore, #tpu.memory_space<semaphore_mem>>)
      %dma_wait3A = arith.constant 0 : i32
      %dma_wait3A_19 = tpu.memref_slice %arg6[%arg0, %mul3A_14, %dma_wait3A] : memref<2x10240x128xf32, #tpu.memory_space<hbm>> -> memref<1x640x128xf32, #tpu.memory_space<hbm>>
      %dma_wait3A_20 = tpu.memref_squeeze %dma_wait3A_19 : memref<1x640x128xf32, #tpu.memory_space<hbm>> -> memref<640x128xf32, #tpu.memory_space<hbm>>
      %dma_wait3A_21 = arith.constant 0 : i32
      %dma_wait3A_22 = tpu.memref_slice %arg11[%mul3A_12, %dma_wait3A_21] : memref<10240x128xf32, #tpu.memory_space<vmem_shared>> -> memref<640x128xf32, #tpu.memory_space<vmem_shared>>
      tpu.wait_dma2 semaphore(%run_scoped3A : memref<!tpu.dma_semaphore, #tpu.memory_space<semaphore_mem>>) src(%dma_wait3A_22 : memref<640x128xf32, #tpu.memory_space<vmem_shared>>) dst(%dma_wait3A_20 : memref<640x128xf32, #tpu.memory_space<hbm>>)
      tpu.yield
    }) : () -> ()
    return
  }
}

module attributes {stable_mosaic.version = 14 : i64} {
  func.func @_mm_body(%arg0: i32, %arg1: memref<128x128xf32, #tpu.memory_space<vmem>>, %arg2: memref<128x128xf32, #tpu.memory_space<vmem>>, %arg3: memref<32x128xf32, #tpu.memory_space<vmem>>, %arg4: memref<128x128xf32, #tpu.memory_space<vmem>>) attributes {dimension_semantics = [#tpu.dimension_semantics<arbitrary>], iteration_bounds = array<i64: 79>, scalar_prefetch = 0 : i64, scratch_operands = 0 : i64, tpu.core_type = #tpu.core_type<tc>, window_params = [{transform_indices = @transform_0, window_bounds = array<i64: 128, 128>}, {pipeline_mode = #tpu.pipeline_mode<synchronous>, transform_indices = @transform_1, window_bounds = array<i64: 128, 128>}, {transform_indices = @transform_2, window_bounds = array<i64: 32, 128>}, {transform_indices = @transform_3, window_bounds = array<i64: 128, 128>}]} {
    %get3A = arith.constant 0 : index
    %get3A_0 = arith.constant 0 : index
    %get3A_1 = vector.load %arg3[%get3A, %get3A_0] : memref<32x128xf32, #tpu.memory_space<vmem>>, vector<32x128xf32>
    %reduce_sum3A = arith.constant dense<0.000000e+00> : vector<128xf32>
    %reduce_sum3A_2 = vector.multi_reduction <add>, %get3A_1, %reduce_sum3A [0] : vector<32x128xf32> to vector<128xf32>
    %add3A = arith.constant 1.000000e+00 : f32
    %add3A_3 = vector.broadcast %add3A : f32 to vector<128xf32>
    %add3A_4 = arith.addf %reduce_sum3A_2, %add3A_3 : vector<128xf32>
    %rsqrt3A = math.rsqrt %add3A_4 : vector<128xf32>
    %get3A_5 = arith.constant 0 : index
    %get3A_6 = arith.constant 0 : index
    %get3A_7 = vector.load %arg1[%get3A_5, %get3A_6] : memref<128x128xf32, #tpu.memory_space<vmem>>, vector<128x128xf32>
    %get3A_8 = arith.constant 0 : index
    %get3A_9 = arith.constant 0 : index
    %get3A_10 = vector.load %arg2[%get3A_8, %get3A_9] : memref<128x128xf32, #tpu.memory_space<vmem>>, vector<128x128xf32>
    %dot_general3A = arith.constant dense<0.000000e+00> : vector<128x128xf32>
    %dot_general3A_11 = tpu.matmul %get3A_7, %get3A_10, %dot_general3A {dimension_numbers = #tpu.dot_dimension_numbers<[1], [0], [0], [1], [0, 0, 1, 1], [], []>, transpose_lhs_hint = false} : vector<128x128xf32>, vector<128x128xf32>, vector<128x128xf32> -> vector<128x128xf32>
    %broadcast_in_dim3A = vector.shape_cast %rsqrt3A : vector<128xf32> to vector<128x1xf32>
    %mul3A = vector.broadcast %broadcast_in_dim3A : vector<128x1xf32> to vector<128x128xf32>
    %mul3A_12 = arith.mulf %mul3A, %dot_general3A_11 : vector<128x128xf32>
    %swap3A = arith.constant 0 : index
    %swap3A_13 = arith.constant 0 : index
    %swap3A_14 = vector.load %arg4[%swap3A, %swap3A_13] : memref<128x128xf32, #tpu.memory_space<vmem>>, vector<128x128xf32>
    tpu.vector_store %arg4[%swap3A, %swap3A_13], %mul3A_12 {strides = array<i32>} : memref<128x128xf32, #tpu.memory_space<vmem>>, vector<128x128xf32>,
    return
  }
  func.func @transform_0(%arg0: i32) -> (i32, i32) {
    %c0_i32 = arith.constant 0 : i32
    %c0_i32_0 = arith.constant 0 : i32
    return %arg0, %c0_i32 : i32, i32
  }
  func.func @transform_1(%arg0: i32) -> (i32, i32) {
    %c0_i32 = arith.constant 0 : i32
    %c0_i32_0 = arith.constant 0 : i32
    %c0_i32_1 = arith.constant 0 : i32
    return %c0_i32, %c0_i32_0 : i32, i32
  }
  func.func @transform_2(%arg0: i32) -> (i32, i32) {
    %c0_i32 = arith.constant 0 : i32
    %c0_i32_0 = arith.constant 0 : i32
    return %c0_i32, %arg0 : i32, i32
  }
  func.func @transform_3(%arg0: i32) -> (i32, i32) {
    %c0_i32 = arith.constant 0 : i32
    %c0_i32_0 = arith.constant 0 : i32
    return %arg0, %c0_i32 : i32, i32
  }
}

module attributes {stable_mosaic.version = 14 : i64} {
  func.func @_final_body(%arg0: i32, %arg1: memref<2x128x128xf32, #tpu.memory_space<vmem>>, %arg2: memref<128x128xf32, #tpu.memory_space<vmem>>, %arg3: memref<32x128xf32, #tpu.memory_space<vmem>>, %arg4: memref<1x128xf32, #tpu.memory_space<vmem>>, %arg5: memref<128x128xf32, #tpu.memory_space<vmem>>) attributes {dimension_semantics = [#tpu.dimension_semantics<arbitrary>], iteration_bounds = array<i64: 79>, scalar_prefetch = 0 : i64, scratch_operands = 0 : i64, tpu.core_type = #tpu.core_type<tc>, window_params = [{transform_indices = @transform_0, window_bounds = array<i64: 2, 128, 128>}, {transform_indices = @transform_1, window_bounds = array<i64: 128, 128>}, {transform_indices = @transform_2, window_bounds = array<i64: 32, 128>}, {pipeline_mode = #tpu.pipeline_mode<synchronous>, transform_indices = @transform_3, window_bounds = array<i64: 1, 128>}, {transform_indices = @transform_4, window_bounds = array<i64: 128, 128>}]} {
    %get3A = arith.constant 0 : index
    %get3A_0 = arith.constant 0 : index
    %get3A_1 = vector.load %arg3[%get3A, %get3A_0] : memref<32x128xf32, #tpu.memory_space<vmem>>, vector<32x128xf32>
    %reduce_sum3A = arith.constant dense<0.000000e+00> : vector<128xf32>
    %reduce_sum3A_2 = vector.multi_reduction <add>, %get3A_1, %reduce_sum3A [0] : vector<32x128xf32> to vector<128xf32>
    %add3A = arith.constant 1.000000e+00 : f32
    %add3A_3 = vector.broadcast %add3A : f32 to vector<128xf32>
    %add3A_4 = arith.addf %reduce_sum3A_2, %add3A_3 : vector<128xf32>
    %rsqrt3A = math.rsqrt %add3A_4 : vector<128xf32>
    %get3A_5 = arith.constant 0 : index
    %get3A_6 = arith.constant 0 : index
    %get3A_7 = arith.constant 0 : index
    %get3A_8 = vector.load %arg1[%get3A_5, %get3A_6, %get3A_7] : memref<2x128x128xf32, #tpu.memory_space<vmem>>, vector<1x128x128xf32>
    %get3A_9 = vector.shape_cast %get3A_8 : vector<1x128x128xf32> to vector<128x128xf32>
    %get3A_10 = arith.constant 1 : index
    %get3A_11 = arith.constant 0 : index
    %get3A_12 = arith.constant 0 : index
    %get3A_13 = vector.load %arg1[%get3A_10, %get3A_11, %get3A_12] : memref<2x128x128xf32, #tpu.memory_space<vmem>>, vector<1x128x128xf32>
    %get3A_14 = vector.shape_cast %get3A_13 : vector<1x128x128xf32> to vector<128x128xf32>
    %add3A_15 = arith.addf %get3A_9, %get3A_14 : vector<128x128xf32>
    %get3A_16 = arith.constant 0 : index
    %get3A_17 = arith.constant 0 : index
    %get3A_18 = vector.load %arg2[%get3A_16, %get3A_17] : memref<128x128xf32, #tpu.memory_space<vmem>>, vector<128x128xf32>
    %add3A_19 = arith.addf %add3A_15, %get3A_18 : vector<128x128xf32>
    %broadcast_in_dim3A = vector.shape_cast %rsqrt3A : vector<128xf32> to vector<128x1xf32>
    %mul3A = vector.broadcast %broadcast_in_dim3A : vector<128x1xf32> to vector<128x128xf32>
    %mul3A_20 = arith.mulf %mul3A, %add3A_19 : vector<128x128xf32>
    %get3A_21 = arith.constant 0 : index
    %get3A_22 = arith.constant 0 : index
    %get3A_23 = vector.load %arg4[%get3A_21, %get3A_22] : memref<1x128xf32, #tpu.memory_space<vmem>>, vector<1x128xf32>
    %add3A_24 = vector.broadcast %get3A_23 : vector<1x128xf32> to vector<128x128xf32>
    %add3A_25 = arith.addf %mul3A_20, %add3A_24 : vector<128x128xf32>
    %swap3A = arith.constant 0 : index
    %swap3A_26 = arith.constant 0 : index
    %swap3A_27 = vector.load %arg5[%swap3A, %swap3A_26] : memref<128x128xf32, #tpu.memory_space<vmem>>, vector<128x128xf32>
    tpu.vector_store %arg5[%swap3A, %swap3A_26], %add3A_25 {strides = array<i32>} : memref<128x128xf32, #tpu.memory_space<vmem>>, vector<128x128xf32>,
    return
  }
  func.func @transform_0(%arg0: i32) -> (i32, i32, i32) {
    %c0_i32 = arith.constant 0 : i32
    %c0_i32_0 = arith.constant 0 : i32
    %c0_i32_1 = arith.constant 0 : i32
    return %c0_i32, %arg0, %c0_i32_0 : i32, i32, i32
  }
  func.func @transform_1(%arg0: i32) -> (i32, i32) {
    %c0_i32 = arith.constant 0 : i32
    %c0_i32_0 = arith.constant 0 : i32
    return %arg0, %c0_i32 : i32, i32
  }
  func.func @transform_2(%arg0: i32) -> (i32, i32) {
    %c0_i32 = arith.constant 0 : i32
    %c0_i32_0 = arith.constant 0 : i32
    return %c0_i32, %arg0 : i32, i32
  }
  func.func @transform_3(%arg0: i32) -> (i32, i32) {
    %c0_i32 = arith.constant 0 : i32
    %c0_i32_0 = arith.constant 0 : i32
    %c0_i32_1 = arith.constant 0 : i32
    return %c0_i32, %c0_i32_0 : i32, i32
  }
  func.func @transform_4(%arg0: i32) -> (i32, i32) {
    %c0_i32 = arith.constant 0 : i32
    %c0_i32_0 = arith.constant 0 : i32
    return %arg0, %c0_i32 : i32, i32
  }
}

</mosaic_0001>

<sc_bundles>
// kernel: kernel.6.cloned.1.call-start
scs
__scs_entry_jumppad:
0x0: {  	(pc) =	sbr.rel $0x88, $3  }
0x1: {  	(tag) =	ssettag $0x0;
	lr =	simm.s32 $0x1  }
0x2: {  	[smem:$0x3F9D] =	sst lr;
	_ =	strace $0xD0000000  }
0x3: {  	_ = 	snop  }
0x4: {  	_ = 	snop  }
0x5: {  	_ = 	snop  }
0x6: {  	_ = 	snop  }
0x7: {  	_ = 	snop  }
__scs_overlays_trampoline_lowered:
0x8: {  	[smem:$0x3FAC] =	sst s0  }
0x9: {  	[smem:$0x3FAD] =	sst s1  }
0xa: {  	[smem:$0x3FAE] =	sst s2  }
0xb: {  	[smem:$0x3FAF] =	sst s3  }
0xc: {  	[smem:$0x3FB0] =	sst s4  }
0xd: {  	[smem:$0x3FB1] =	sst s5  }
0xe: {  	[smem:$0x3FB2] =	sst s6  }
0xf: {  	[smem:$0x3FB3] =	sst s7  }
0x10: {  	[smem:$0x3FB4] =	sst s8  }
0x11: {  	[smem:$0x3FB5] =	sst s9;
	s0 =	simm.s32 @!p0 $0x0  }
0x12: {  	s1 =	sld [smem:$0x3F9B];
	s0 =	simm.s32 @p0 $0x1  }
0x13: {  	[smem:$0x3FB6] =	sst s0;
	s0 =	simm.s32 @!p1 $0x0  }
0x14: {  	s2 =	sld [smem:$0x3F9A];
	s0 =	simm.s32 @p1 $0x1  }
0x15: {  	[smem:$0x3FB7] =	sst s0;
	s0 =	simm.s32 @!p2 $0x0  }
0x16: {  	s3 =	sld [smem:$0x3FDB];
	s0 =	simm.s32 @p2 $0x1  }
0x17: {  	s4 =	simm.s32 $0x1BF5;
	[smem:$0x3FB9] =	sst s0  }
0x18: {  	s0 =	sld [smem:$0x3F9C];
	_ =	swait.ge [sflag:s4], $0x0  }
0x19: {  	s7 =	sld [smem:$0x3F9D]  }
0x1a: {  	s8 =	sadd.s32 $0xFFFFE003, lr  }
0x1b: {  	s9 =	sadd.s32 $0xFFFFFEF7, lr;
	s5 =	simm.s32 $0xFFFFFFFF;
	p2 =	slt.u32 s8, $0xFFFFF086  }
0x1c: {  	p1 =	slt.u32 s9, $0xF7A;
	s5 =	simm.s32 @!p2 $0x0  }
0x1d: {  	s5 =	simm.s32 @p1 $0x1;
	p0 =	seq.s32 s7, s2  }
0x1e: {  	s7 =	smul.u32 @!p0 $0xF7A, s2;
	p2 =	seq.s32 @!p0 s5, $0x0  }
0x1f: {  	s9 =	smul.u32 $0xF7A, s1;
	s8 =	simm.s32 @!p0 $0x1BF5;
	p2 =	por !p2, p0  }
0x20: {  	[sflag:s8] =	ssyncset.s32 @!p0 $0xFFFFF086;
	s6 =	sadd.s32 @!p0 s3, s7;
	s7 =	simm.s32 @!p0 $0x108  }
0x21: {  	s3 =	sadd.s32 s3, s9;
	s6 =	sadd.s32 @!p0 $0x88, s6;
	s7 =	simm.s32 @p2 $0x1082  }
0x22: {  	[simem:s7], [sflag:s8] =	dma.local @!p0 [hbm:s6], $0xF7A  }
0x23: {  	s9 =	sor.u32 $0xD0000000, s2;
	s6 =	simm.s32 $0x108;
	_ =	swait.ge @!p0 [sflag:s8], $0x0  }
0x24: {  	s3 =	sadd.s32 $0x88, s3;
	s6 =	simm.s32 @!p1 $0x1082;
	[sflag:s4] =	ssyncset.s32 $0xFFFFF086  }
0x25: {  	[simem:s6], [sflag:s4] =	dma.local [hbm:s3], $0xF7A  }
0x26: {  	[smem:$0x3F9D] =	sst s1;
	(tag) =	ssettag s2;
	_ =	strace s9  }
0x27: {  	s1 =	sld [smem:$0x3FAD]  }
0x28: {  	s2 =	sld [smem:$0x3FAE]  }
0x29: {  	s4 =	sld [smem:$0x3FB0]  }
0x2a: {  	p0 =	seq.s32 s5, $0x0;
	s5 =	sld [smem:$0x3FB1]  }
0x2b: {  	s6 =	sld [smem:$0x3FB2]  }
0x2c: {  	s7 =	sld [smem:$0x3FB3]  }
0x2d: {  	s3 =	simm.s32 $0x108;
	s8 =	sld [smem:$0x3FB4]  }
0x2e: {  	s3 =	simm.s32 @!p0 $0x1082;
	s9 =	sld [smem:$0x3FB5]  }
0x2f: {  	lr =	sadd.s32 s0, s3;
	s0 =	sld [smem:$0x3FAC]  }
0x30: {  	s3 =	sld [smem:$0x3FAF]  }
0x31: {  	[smem:$0x3FB8] =	sst s10  }
0x32: {  	s10 =	sld [smem:$0x3FB6];
	_ =	sdelay $0x3  }
0x33: {  	p0 =	seq.s32 s10, $0x1;
	s10 =	sld [smem:$0x3FB8];
	_ =	sdelay $0x3  }
0x34: {  	[smem:$0x3FB8] =	sst s10  }
0x35: {  	s10 =	sld [smem:$0x3FB7];
	_ =	sdelay $0x3  }
0x36: {  	p1 =	seq.s32 s10, $0x1;
	s10 =	sld [smem:$0x3FB8];
	_ =	sdelay $0x3  }
0x37: {  	[smem:$0x3FB8] =	sst s10  }
0x38: {  	s10 =	sld [smem:$0x3FB9]  }
0x39: {  	_ = 	snop;
	(pc) =	sbr.ind lr, $3  }
0x3a: {  	_ = 	snop  }
0x3b: {  	_ = 	snop  }
0x3c: {  	p2 =	seq.s32 s10, $0x1;
	s10 =	sld [smem:$0x3FB8]  }
0x3d: {  	_ =	shalt  }
0x3e: {  	_ =	shalt  }
0x3f: {  	_ =	shalt  }
0x40: {  	_ =	shalt  }
0x41: {  	_ =	shalt  }
0x42: {  	_ =	shalt  }
0x43: {  	_ =	shalt  }
0x44: {  	_ =	shalt  }
0x45: {  	_ =	shalt  }
0x46: {  	_ =	shalt  }
0x47: {  	_ =	shalt  }
0x48: {  	_ =	shalt  }
0x49: {  	_ =	shalt  }
0x4a: {  	_ =	shalt  }
0x4b: {  	_ =	shalt  }
0x4c: {  	_ =	shalt  }
0x4d: {  	_ =	shalt  }
0x4e: {  	_ =	shalt  }
0x4f: {  	_ =	shalt  }
0x50: {  	_ =	shalt  }
0x51: {  	_ =	shalt  }
0x52: {  	_ =	shalt  }
0x53: {  	_ =	shalt  }
0x54: {  	_ =	shalt  }
0x55: {  	_ =	shalt  }
0x56: {  	_ =	shalt  }
0x57: {  	_ =	shalt  }
0x58: {  	_ =	shalt  }
0x59: {  	_ =	shalt  }
0x5a: {  	_ =	shalt  }
0x5b: {  	_ =	shalt  }
0x5c: {  	_ =	shalt  }
0x5d: {  	_ =	shalt  }
0x5e: {  	_ =	shalt  }
0x5f: {  	_ =	shalt  }
0x60: {  	_ =	shalt  }
0x61: {  	_ =	shalt  }
0x62: {  	_ =	shalt  }
0x63: {  	_ =	shalt  }
0x64: {  	_ =	shalt  }
0x65: {  	_ =	shalt  }
0x66: {  	_ =	shalt  }
0x67: {  	_ =	shalt  }
0x68: {  	_ =	shalt  }
0x69: {  	_ =	shalt  }
0x6a: {  	_ =	shalt  }
0x6b: {  	_ =	shalt  }
0x6c: {  	_ =	shalt  }
0x6d: {  	_ =	shalt  }
0x6e: {  	_ =	shalt  }
0x6f: {  	_ =	shalt  }
0x70: {  	_ =	shalt  }
0x71: {  	_ =	shalt  }
0x72: {  	_ =	shalt  }
0x73: {  	_ =	shalt  }
0x74: {  	_ =	shalt  }
0x75: {  	_ =	shalt  }
0x76: {  	_ =	shalt  }
0x77: {  	_ =	shalt  }
0x78: {  	_ =	shalt  }
0x79: {  	_ =	shalt  }
0x7a: {  	_ =	shalt  }
0x7b: {  	_ =	shalt  }
0x7c: {  	_ =	shalt  }
0x7d: {  	_ =	shalt  }
0x7e: {  	_ =	shalt  }
0x7f: {  	_ =	shalt  }
0x80: {  	_ =	shalt  }
0x81: {  	_ =	shalt  }
0x82: {  	_ =	shalt  }
0x83: {  	_ =	shalt  }
0x84: {  	_ =	shalt  }
0x85: {  	_ =	shalt  }
0x86: {  	_ =	shalt  }
0x87: {  	_ =	shalt  }
.Lfunc_end0:
.L_simem_size_0:
called_computation_lowered:
.L_overlay_start_0:
0x88: {  	s2 =	sld [smem:$0x3FD9]  }
0x89: {  	s3 =	sld [smem:$0x3FFE];
	_ =	sdelay $0x1  }
0x8a: {  	s1 =	srdreg.scid  }
0x8b: {  	s0 =	sand.u32 $0x1, s1  }
0x8c: {  	s16 =	sshll.u32 s0, $0xA;
	s2 =	sadd.s32 s3, s2  }
0x8d: {  	s2 =	sadd.s32 s2, s16  }
0x8e: {  	[smem:$0x3FC4] =	sst s2  }
0x8f: {  	_ = 	snop  }
0x90: {  	(tm) =	ssettm $0x1  }
0x91: {  	s17 =	sld [smem:$0x3FFB];
	_ =	sdelay $0x3  }
0x92: {  	_ =	strace s17  }
0x93: {  	s2 =	sld [smem:$0x3FFC];
	_ =	sdelay $0x3  }
0x94: {  	_ =	strace s2  }
0x95: {  	s2 =	sld [smem:$0x3FFD];
	_ =	sdelay $0x3  }
0x96: {  	_ =	strace s2  }
0x97: {  	_ =	strace $0x8FFFFFFF  }
0x98: {  	s18 =	sld [smem:$0x3FDB];
	_ =	sdelay $0x1  }
0x99: {  	s19 =	simm.s32 $_scs_section_size  }
0x9a: {  	s4 =	simm.s32 $_size__tile_overlayer_lowered;
	s5 =	simm.s32 $_tile_overlayer_lowered  }
0x9b: {  	s22 =	simm.s32 $0x1BFF;
	s21 =	sshll.u32 s5, $0x1;
	s2 =	sadd.s32 s19, s18  }
0x9c: {  	s6 =	simm.s32 $0x0;
	s20 =	sshll.u32 s4, $0x1;
	s4 =	sadd.s32 s21, s2  }
0x9d: {  	[timem:s6], [sflag:s22] =	dma.local [hbm:s4], s20  }
0x9e: {  	_ =	swait.ge [sflag:s22], s20  }
0x9f: {  	s3 =	ssub.s32 $0x0, s20;
	[sflag:s22] =	ssyncset.done $0x0  }
0xa0: {  	[sflag:s22] =	ssyncadd.s32 s3;
	_ =	sdelay $0x1  }
0xa1: {  	s23 =	simm.s32 $0x1B8B  }
0xa2: {  	_ =	swait.ge [sflag:s23], $0x1  }
0xa3: {  	[sflag:s23] =	ssyncset.done $0x0  }
0xa4: {  	s25 =	simm.s32 $0x1B8E;
	s24 =	sld [smem:$0x3FFE];
	[sflag:s23] =	ssyncadd.s32 $0xFFFFFFFF  }
0xa5: {  	s26 =	simm.s32 $execute0_lowered;
	[smem:$0x3FD2] =	sst s25  }
0xa6: {  	s4 =	sshll.u32 s26, $0x1;
	_ =	strace $0x80000046;
	[dreg:$0x1] =	wrdreg $0xFFFFFFFF  }
0xa7: {  	s28 =	simm.s32 $_size_execute0_lowered;
	s2 =	sadd.s32 s2, s4;
	[dreg:$0x0] =	wrdreg $0x0  }
0xa8: {  	s4 =	sshll.u32 s28, $0x1;
	[dreg:$0x2] =	wrdreg s2  }
0xa9: {  	[dreg:$0x3] =	wrdreg s4  }
0xaa: {  	[dreg:$0x4] =	wrdreg $0xC0  }
0xab: {  	_ =	task [dreg:s6], $0x5FFFF  }
0xac: {  	[dreg:$0x1] =	wrdreg $0xFFFFFFFF  }
0xad: {  	[dreg:$0x0] =	wrdreg $0x60  }
0xae: {  	[dreg:$0x2] =	wrdreg s24  }
0xaf: {  	[dreg:$0x3] =	wrdreg $0x9  }
0xb0: {  	_ =	task.clear_ibuf [dreg:s6], $0x4FFFF;
	_ =	strace $0x90000046  }
0xb1: {  	s29 =	simm.s32 $0x9;
	_ =	strace $0x80000048  }
0xb2: {  	_ =	swait.ge [sflag:s29], $0x1  }
0xb3: {  	[sflag:s29] =	ssyncadd.s32 $0xFFFFFFFF  }
0xb4: {  	_ =	strace $0x90000048  }
0xb5: {  	_ =	sfence  }
0xb6: {  	s30 =	sld [smem:$0x0];
	_ =	sdelay $0x2  }
0xb7: {  	s31 =	sshll.u32 s1, $0xD;
	s1 =	sshrl.u32 s1, $0x2  }
0xb8: {  	s3 =	sand.u32 $0x4000, s31;
	s1 =	sadd.s32 s1, s30  }
0xb9: {  	s0 =	sor.u32 s3, s0;
	s1 =	sshll.u32 s1, $0x11  }
0xba: {  	s0 =	sor.u32 s1, s0  }
0xbb: {  	s0 =	sadd.s32 $0x8F2B, s0  }
0xbc: {  	[sflag:s0] =	ssyncadd.remote.s32 $0x1  }
0xbd: {  	_ =	sfence.sel $0xFFFF  }
0xbe: {  	[dreg:$0x0] =	wrdreg $0xFFFFFFFF;
	(pc) =	sbr.abs _section_cstart, $3  }
0xbf: {  	[dreg:$0x1] =	wrdreg $0xFFFFFFFF  }
0xc0: {  	_ =	task.clear_ibuf [dreg:s6], $0x2FFFF;
	_ =	strace $0x9FFFFFFF  }
0xc1: {  	(tm) =	ssettm $0x7FFFFFFF  }
tec
execute0_lowered:
.L_overlay_start_1:
0x0: {  	(tag) =	ssettag $0x1  }
0x1: {  	s1 =	srdreg.scid  }
0x2: {  	s0 =	stileid.u32;
	s4 =	rddreg [dreg:$0x0];
	s8 =	simm.s32 $0x3100  }
0x3: {  	s9 =	simm.s32 $0x80;
	s10 =	simm.s32 $0x400;
	s11 =	simm.s32 $0x0  }
0x4: {  	s3 =	sand.u32 $0x1, s1;
	s2 =	sshll.u32 s0, $0x1;
	s1 =	rddreg [dreg:$0x1]  }
0x5: {  	s6 =	sshrl.u32 s0, $0x2;
	s5 =	sor.u32 s3, s2;
	s2 =	simm.s32 $0x0  }
0x6: {  	s6 =	smul.u32 $0x13C00, s6;
	s30 =	ssub.s32 $0x2, s3;
	s7 =	sshll.u32 s5, $0x7  }
0x7: {  	s3 =	sadd.s32 $0xD200, s4;
	s5 =	smul.u32 $0x620, s5;
	s7 =	sand.u32 $0x380, s7  }
0x8: {  	[smem:$0x7FF] =	sst s2;
	s31 =	sshrl.u32 s30, $0x1;
	s6 =	sor.u32 s6, s7  }
0x9: {  	_ =	strace $0x80000047;
	s5 =	sadd.s32 s5, s4;
	s6 =	sshrl.u32 s6, $0x3  }
0xa: {  	s7 =	ssub.s32 s30, s31;
	s6 =	sadd.s32 s6, s4;
	s4 =	sadd.s32 $0xE00, s5  }
0xb: {  	v0 =	vimm.f32 $1.000000000e+00;
	s5 =	sadd.s32 $0xD800, s6;
	s6 =	smax.u32 s7, $0x1;
	s7 =	simm.s32 $0x1  }
.LBB2_1:
0xc: {  	[tilespmem:s2], [sflag:$0x1] =	stream.linear.gather [hbm4b:s4+s2], $0x3100, $0x38;
	[tilespmem:$0x5880] =	vst v63  }
0xd: {  	_ =	swait.ge [sflag:s7], $0x3100  }
0xe: {  	[sflag:s7] =	ssyncset.done $0x0  }
0xf: {  	[sflag:s7] =	ssyncadd.s32 $0xFFFFCF00  }
0x10: {  	[tilespmem:s8], [sflag:$0x1] =	stream.linear.gather [hbm4b:s3+s2], $0x2780, $0x38;
	[tilespmem:$0x5880] =	vst v63  }
0x11: {  	_ =	swait.ge [sflag:s7], $0x2780  }
0x12: {  	[sflag:s7] =	ssyncset.done $0x0  }
0x13: {  	s13 =	simm.s32 $0x0;
	s12 =	simm.s32 $0x40;
	[sflag:s7] =	ssyncadd.s32 $0xFFFFD880  }
.LBB2_2:
0x14: {  	p0 =	sne.s32 s12, $0xC3C0;
	v1 =	vld [tilespmem:s13+$0x0];
	_ =	sdelay $0x3  }
.Ltmp0:
0x15: {  	(pc) =	sbr.rel @p0 .LBB2_2-.Ltmp0, $2  }
0x16: {  	_ =	sdelay $0x2  }
0x17: {  	s13 =	sshra.s32 s12, $0x2;
	s12 =	sadd.s32 $0x40, s12;
	[tilespmem:v1+s8+$0x0] =	vst.idx.add.f32.msk $0xffff, v0  }
0x18: {  	v1 =	vld [tilespmem:s13+$0x0];
	_ =	sdelay $0x5  }
0x19: {  	s11 =	sadd.s32 $0x1, s11  }
0x1a: {  	p0 =	sne.s32 s11, s6  }
.Ltmp1:
0x1b: {  	[tilespmem:v1+s8+$0x0] =	vst.idx.add.f32.msk $0xffff, v0;
	(pc) =	sbr.rel @p0 .LBB2_1-.Ltmp1, $4  }
0x1c: {  	[hbm4b:s5+s9] =	stream.strided.scatter [tilespmem:s8], [sflag:$0x1], $0x2780, s10, s9, $0x38;
	[tilespmem:$0x5880] =	vst v63  }
0x1d: {  	_ =	swait.ge [sflag:s7], $0x2780  }
0x1e: {  	[sflag:s7] =	ssyncset.done $0x0  }
0x1f: {  	[sflag:s7] =	ssyncadd.s32 $0xFFFFD880  }
0x20: {  	_ =	sfence.sel $0x180000  }
0x21: {  	[bflag:$0x0] =	sbarrier.arrive $0xFFFF  }
0x22: {  	p0 =	sne.s32 s0, $0x0;
	_ =	strace $0x90000047  }
0x23: {  	s0 =	sadd.s32 @!p0 $0x100000, s1;
	[bflag:$0x2] =	sbarrier.arrive $0xFFFF  }
0x24: {  	[sflag:s0] =	ssyncadd.tile.s32 @!p0 $0x1;
	_ =	shalt  }
.Lfunc_end2:
_tile_overlayer_lowered:
.L_overlay_start_2:
0x25: {  	(tag) =	ssettag $0x2  }
0x26: {  	s0 =	rddreg [dreg:$0x0];
	s2 =	stileid.u32  }
0x27: {  	s1 =	rddreg [dreg:$0x1];
	p0 =	sne.s32 s2, $0x0  }
0x28: {  	s3 =	rddreg [dreg:$0x2];
	[bflag:$0x3] =	sbarrier.arrive $0xFFFF;
	s2 =	simm.s32 @!p0 $0x1C01  }
0x29: {  	[timem:s3], [sflag:s2] =	dma.local @!p0 [hbm:s0], s1  }
0x2a: {  	s0 =	simm.s32 @!p0 $0x1  }
0x2b: {  	_ =	swait.ge @!p0 [sflag:s0], s1  }
0x2c: {  	s1 =	ssub.s32 @!p0 $0x0, s1;
	[sflag:s0] =	ssyncset.done @!p0 $0x0  }
0x2d: {  	[sflag:s0] =	ssyncadd.s32 @!p0 s1  }
0x2e: {  	[bflag:$0x3] =	sbarrier.arrive $0xFFFF  }
0x2f: {  	_ =	shalt  }

// kernel: kernel.9.cloned.1.call-start
scs
__scs_entry_jumppad:
0x0: {  	(pc) =	sbr.rel $0x88, $3  }
0x1: {  	(tag) =	ssettag $0x0;
	lr =	simm.s32 $0x1  }
0x2: {  	[smem:$0x3F9D] =	sst lr;
	_ =	strace $0xD0000000  }
0x3: {  	_ = 	snop  }
0x4: {  	_ = 	snop  }
0x5: {  	_ = 	snop  }
0x6: {  	_ = 	snop  }
0x7: {  	_ = 	snop  }
__scs_overlays_trampoline_lowered:
0x8: {  	[smem:$0x3FAC] =	sst s0  }
0x9: {  	[smem:$0x3FAD] =	sst s1  }
0xa: {  	[smem:$0x3FAE] =	sst s2  }
0xb: {  	[smem:$0x3FAF] =	sst s3  }
0xc: {  	[smem:$0x3FB0] =	sst s4  }
0xd: {  	[smem:$0x3FB1] =	sst s5  }
0xe: {  	[smem:$0x3FB2] =	sst s6  }
0xf: {  	[smem:$0x3FB3] =	sst s7  }
0x10: {  	[smem:$0x3FB4] =	sst s8  }
0x11: {  	[smem:$0x3FB5] =	sst s9;
	s0 =	simm.s32 @!p0 $0x0  }
0x12: {  	s1 =	sld [smem:$0x3F9B];
	s0 =	simm.s32 @p0 $0x1  }
0x13: {  	[smem:$0x3FB6] =	sst s0;
	s0 =	simm.s32 @!p1 $0x0  }
0x14: {  	s2 =	sld [smem:$0x3F9A];
	s0 =	simm.s32 @p1 $0x1  }
0x15: {  	[smem:$0x3FB7] =	sst s0;
	s0 =	simm.s32 @!p2 $0x0  }
0x16: {  	s3 =	sld [smem:$0x3FDB];
	s0 =	simm.s32 @p2 $0x1  }
0x17: {  	s4 =	simm.s32 $0x1BF5;
	[smem:$0x3FB9] =	sst s0  }
0x18: {  	s0 =	sld [smem:$0x3F9C];
	_ =	swait.ge [sflag:s4], $0x0  }
0x19: {  	s7 =	sld [smem:$0x3F9D]  }
0x1a: {  	s8 =	sadd.s32 $0xFFFFE003, lr  }
0x1b: {  	s9 =	sadd.s32 $0xFFFFFEF7, lr;
	s5 =	simm.s32 $0xFFFFFFFF;
	p2 =	slt.u32 s8, $0xFFFFF086  }
0x1c: {  	p1 =	slt.u32 s9, $0xF7A;
	s5 =	simm.s32 @!p2 $0x0  }
0x1d: {  	s5 =	simm.s32 @p1 $0x1;
	p0 =	seq.s32 s7, s2  }
0x1e: {  	s7 =	smul.u32 @!p0 $0xF7A, s2;
	p2 =	seq.s32 @!p0 s5, $0x0  }
0x1f: {  	s9 =	smul.u32 $0xF7A, s1;
	s8 =	simm.s32 @!p0 $0x1BF5;
	p2 =	por !p2, p0  }
0x20: {  	[sflag:s8] =	ssyncset.s32 @!p0 $0xFFFFF086;
	s6 =	sadd.s32 @!p0 s3, s7;
	s7 =	simm.s32 @!p0 $0x108  }
0x21: {  	s3 =	sadd.s32 s3, s9;
	s6 =	sadd.s32 @!p0 $0x88, s6;
	s7 =	simm.s32 @p2 $0x1082  }
0x22: {  	[simem:s7], [sflag:s8] =	dma.local @!p0 [hbm:s6], $0xF7A  }
0x23: {  	s9 =	sor.u32 $0xD0000000, s2;
	s6 =	simm.s32 $0x108;
	_ =	swait.ge @!p0 [sflag:s8], $0x0  }
0x24: {  	s3 =	sadd.s32 $0x88, s3;
	s6 =	simm.s32 @!p1 $0x1082;
	[sflag:s4] =	ssyncset.s32 $0xFFFFF086  }
0x25: {  	[simem:s6], [sflag:s4] =	dma.local [hbm:s3], $0xF7A  }
0x26: {  	[smem:$0x3F9D] =	sst s1;
	(tag) =	ssettag s2;
	_ =	strace s9  }
0x27: {  	s1 =	sld [smem:$0x3FAD]  }
0x28: {  	s2 =	sld [smem:$0x3FAE]  }
0x29: {  	s4 =	sld [smem:$0x3FB0]  }
0x2a: {  	p0 =	seq.s32 s5, $0x0;
	s5 =	sld [smem:$0x3FB1]  }
0x2b: {  	s6 =	sld [smem:$0x3FB2]  }
0x2c: {  	s7 =	sld [smem:$0x3FB3]  }
0x2d: {  	s3 =	simm.s32 $0x108;
	s8 =	sld [smem:$0x3FB4]  }
0x2e: {  	s3 =	simm.s32 @!p0 $0x1082;
	s9 =	sld [smem:$0x3FB5]  }
0x2f: {  	lr =	sadd.s32 s0, s3;
	s0 =	sld [smem:$0x3FAC]  }
0x30: {  	s3 =	sld [smem:$0x3FAF]  }
0x31: {  	[smem:$0x3FB8] =	sst s10  }
0x32: {  	s10 =	sld [smem:$0x3FB6];
	_ =	sdelay $0x3  }
0x33: {  	p0 =	seq.s32 s10, $0x1;
	s10 =	sld [smem:$0x3FB8];
	_ =	sdelay $0x3  }
0x34: {  	[smem:$0x3FB8] =	sst s10  }
0x35: {  	s10 =	sld [smem:$0x3FB7];
	_ =	sdelay $0x3  }
0x36: {  	p1 =	seq.s32 s10, $0x1;
	s10 =	sld [smem:$0x3FB8];
	_ =	sdelay $0x3  }
0x37: {  	[smem:$0x3FB8] =	sst s10  }
0x38: {  	s10 =	sld [smem:$0x3FB9]  }
0x39: {  	_ = 	snop;
	(pc) =	sbr.ind lr, $3  }
0x3a: {  	_ = 	snop  }
0x3b: {  	_ = 	snop  }
0x3c: {  	p2 =	seq.s32 s10, $0x1;
	s10 =	sld [smem:$0x3FB8]  }
0x3d: {  	_ =	shalt  }
0x3e: {  	_ =	shalt  }
0x3f: {  	_ =	shalt  }
0x40: {  	_ =	shalt  }
0x41: {  	_ =	shalt  }
0x42: {  	_ =	shalt  }
0x43: {  	_ =	shalt  }
0x44: {  	_ =	shalt  }
0x45: {  	_ =	shalt  }
0x46: {  	_ =	shalt  }
0x47: {  	_ =	shalt  }
0x48: {  	_ =	shalt  }
0x49: {  	_ =	shalt  }
0x4a: {  	_ =	shalt  }
0x4b: {  	_ =	shalt  }
0x4c: {  	_ =	shalt  }
0x4d: {  	_ =	shalt  }
0x4e: {  	_ =	shalt  }
0x4f: {  	_ =	shalt  }
0x50: {  	_ =	shalt  }
0x51: {  	_ =	shalt  }
0x52: {  	_ =	shalt  }
0x53: {  	_ =	shalt  }
0x54: {  	_ =	shalt  }
0x55: {  	_ =	shalt  }
0x56: {  	_ =	shalt  }
0x57: {  	_ =	shalt  }
0x58: {  	_ =	shalt  }
0x59: {  	_ =	shalt  }
0x5a: {  	_ =	shalt  }
0x5b: {  	_ =	shalt  }
0x5c: {  	_ =	shalt  }
0x5d: {  	_ =	shalt  }
0x5e: {  	_ =	shalt  }
0x5f: {  	_ =	shalt  }
0x60: {  	_ =	shalt  }
0x61: {  	_ =	shalt  }
0x62: {  	_ =	shalt  }
0x63: {  	_ =	shalt  }
0x64: {  	_ =	shalt  }
0x65: {  	_ =	shalt  }
0x66: {  	_ =	shalt  }
0x67: {  	_ =	shalt  }
0x68: {  	_ =	shalt  }
0x69: {  	_ =	shalt  }
0x6a: {  	_ =	shalt  }
0x6b: {  	_ =	shalt  }
0x6c: {  	_ =	shalt  }
0x6d: {  	_ =	shalt  }
0x6e: {  	_ =	shalt  }
0x6f: {  	_ =	shalt  }
0x70: {  	_ =	shalt  }
0x71: {  	_ =	shalt  }
0x72: {  	_ =	shalt  }
0x73: {  	_ =	shalt  }
0x74: {  	_ =	shalt  }
0x75: {  	_ =	shalt  }
0x76: {  	_ =	shalt  }
0x77: {  	_ =	shalt  }
0x78: {  	_ =	shalt  }
0x79: {  	_ =	shalt  }
0x7a: {  	_ =	shalt  }
0x7b: {  	_ =	shalt  }
0x7c: {  	_ =	shalt  }
0x7d: {  	_ =	shalt  }
0x7e: {  	_ =	shalt  }
0x7f: {  	_ =	shalt  }
0x80: {  	_ =	shalt  }
0x81: {  	_ =	shalt  }
0x82: {  	_ =	shalt  }
0x83: {  	_ =	shalt  }
0x84: {  	_ =	shalt  }
0x85: {  	_ =	shalt  }
0x86: {  	_ =	shalt  }
0x87: {  	_ =	shalt  }
.Lfunc_end0:
.L_simem_size_0:
called_computation.1_lowered:
.L_overlay_start_0:
0x88: {  	s2 =	sld [smem:$0x3FD9]  }
0x89: {  	s3 =	sld [smem:$0x3FFE];
	_ =	sdelay $0x1  }
0x8a: {  	s1 =	srdreg.scid  }
0x8b: {  	s0 =	sand.u32 $0x1, s1  }
0x8c: {  	s17 =	sshll.u32 s0, $0xA;
	s2 =	sadd.s32 s3, s2  }
0x8d: {  	s2 =	sadd.s32 s2, s17  }
0x8e: {  	[smem:$0x3FC4] =	sst s2  }
0x8f: {  	_ = 	snop  }
0x90: {  	s2 =	sld [smem:$0x3FD0];
	(tm) =	ssettm $0x1  }
0x91: {  	s18 =	sld [smem:$0x3FFB];
	_ =	sdelay $0x3  }
0x92: {  	_ =	strace s18  }
0x93: {  	s3 =	sld [smem:$0x3FFC];
	_ =	sdelay $0x3  }
0x94: {  	_ =	strace s3  }
0x95: {  	s3 =	sld [smem:$0x3FFD];
	_ =	sdelay $0x3  }
0x96: {  	_ =	strace s3  }
0x97: {  	_ =	strace $0x8FFFFFFF  }
0x98: {  	s19 =	sld [smem:$0x3FDB];
	_ =	sdelay $0x1  }
0x99: {  	s4 =	simm.s32 $_scs_section_size  }
0x9a: {  	s5 =	simm.s32 $_size__tile_overlayer_lowered;
	s6 =	simm.s32 $_tile_overlayer_lowered  }
0x9b: {  	s22 =	simm.s32 $0x1BFF;
	s21 =	sshll.u32 s6, $0x1;
	s3 =	sadd.s32 s4, s19  }
0x9c: {  	s7 =	simm.s32 $0x0;
	s20 =	sshll.u32 s5, $0x1;
	s5 =	sadd.s32 s21, s3  }
0x9d: {  	[timem:s7], [sflag:s22] =	dma.local [hbm:s5], s20  }
0x9e: {  	_ =	swait.ge [sflag:s22], s20  }
0x9f: {  	s4 =	ssub.s32 $0x0, s20;
	[sflag:s22] =	ssyncset.done $0x0  }
0xa0: {  	[sflag:s22] =	ssyncadd.s32 s4;
	_ =	sdelay $0x1  }
0xa1: {  	s23 =	simm.s32 $0x1B8B  }
0xa2: {  	_ =	swait.ge [sflag:s23], $0x1  }
0xa3: {  	[sflag:s23] =	ssyncset.done $0x0  }
0xa4: {  	s25 =	simm.s32 $0x1B8E;
	s24 =	sld [smem:$0x3FFE];
	[sflag:s23] =	ssyncadd.s32 $0xFFFFFFFF  }
0xa5: {  	s26 =	simm.s32 $execute0_lowered;
	[smem:$0x3FD2] =	sst s25  }
0xa6: {  	s5 =	sshll.u32 s26, $0x1;
	_ =	strace $0x80000049;
	[dreg:$0x1] =	wrdreg $0xFFFFFFFF  }
0xa7: {  	s28 =	simm.s32 $_size_execute0_lowered;
	s3 =	sadd.s32 s3, s5;
	[dreg:$0x0] =	wrdreg $0x0  }
0xa8: {  	s5 =	sshll.u32 s28, $0x1;
	[dreg:$0x2] =	wrdreg s3  }
0xa9: {  	[dreg:$0x3] =	wrdreg s5  }
0xaa: {  	[dreg:$0x4] =	wrdreg $0xC0  }
0xab: {  	_ =	task [dreg:s7], $0x5FFFF  }
0xac: {  	[dreg:$0x1] =	wrdreg $0xFFFFFFFF  }
0xad: {  	[dreg:$0x0] =	wrdreg $0x60  }
0xae: {  	[dreg:$0x2] =	wrdreg s24  }
0xaf: {  	[dreg:$0x3] =	wrdreg s2  }
0xb0: {  	[dreg:$0x4] =	wrdreg $0xA5000  }
0xb1: {  	[dreg:$0x5] =	wrdreg $0x9  }
0xb2: {  	_ =	task.clear_ibuf [dreg:s7], $0x6FFFF;
	_ =	strace $0x90000049  }
0xb3: {  	s29 =	simm.s32 $0x9;
	_ =	strace $0x8000004B  }
0xb4: {  	_ =	swait.ge [sflag:s29], $0x1  }
0xb5: {  	[sflag:s29] =	ssyncadd.s32 $0xFFFFFFFF  }
0xb6: {  	_ =	strace $0x9000004B  }
0xb7: {  	_ =	sfence  }
0xb8: {  	s30 =	sld [smem:$0x0];
	_ =	sdelay $0x2  }
0xb9: {  	s31 =	sshll.u32 s1, $0xD;
	s1 =	sshrl.u32 s1, $0x2  }
0xba: {  	s3 =	sand.u32 $0x4000, s31;
	s1 =	sadd.s32 s1, s30  }
0xbb: {  	s0 =	sor.u32 s3, s0;
	s1 =	sshll.u32 s1, $0x11  }
0xbc: {  	s0 =	sor.u32 s1, s0  }
0xbd: {  	s0 =	sadd.s32 $0x8F2B, s0  }
0xbe: {  	[sflag:s0] =	ssyncadd.remote.s32 $0x1  }
0xbf: {  	_ =	sfence.sel $0xFFFF  }
0xc0: {  	[dreg:$0x0] =	wrdreg $0xFFFFFFFF;
	(pc) =	sbr.abs _section_cstart, $3  }
0xc1: {  	[dreg:$0x1] =	wrdreg $0xFFFFFFFF  }
0xc2: {  	_ =	task.clear_ibuf [dreg:s7], $0x2FFFF;
	_ =	strace $0x9FFFFFFF  }
0xc3: {  	(tm) =	ssettm $0x7FFFFFFF  }
tec
execute0_lowered:
.L_overlay_start_1:
0x0: {  	(tag) =	ssettag $0x1  }
0x1: {  	s1 =	srdreg.scid;
	s5 =	rddreg [dreg:$0x0]  }
0x2: {  	s0 =	stileid.u32;
	s7 =	rddreg [dreg:$0x1]  }
0x3: {  	s2 =	rddreg [dreg:$0x2];
	s3 =	simm.s32 $0x0;
	s15 =	simm.s32 $0x6500  }
0x4: {  	s16 =	simm.s32 $0x1;
	s17 =	simm.s32 $0x0;
	s11 =	smul.u32 $0x14000, s0  }
0x5: {  	s6 =	sand.u32 $0x1, s1;
	s1 =	rddreg [dreg:$0x3];
	s30 =	smul.u32 $0x50000, s0  }
0x6: {  	s29 =	sshll.u32 s0, $0x1;
	[smem:$0x7FF] =	sst s3;
	s9 =	smul.u32 $0x27100, s6  }
0x7: {  	s31 =	sshll.u32 s0, $0x6;
	s8 =	sor.u32 s6, s29;
	s10 =	smul.u32 $0x140000, s6  }
0x8: {  	_ =	strace $0x8000004A;
	s6 =	ssub.s32 $0x2, s6;
	s4 =	smul.u32 $0x620, s8  }
0x9: {  	s13 =	sshrl.u32 s6, $0x1;
	s8 =	smul.u32 $0x680, s8;
	s9 =	sadd.s32 s9, s5  }
0xa: {  	s10 =	sadd.s32 s11, s10;
	s13 =	ssub.s32 s6, s13;
	s11 =	sshrl.u32 s30, $0x2  }
0xb: {  	s12 =	sadd.s32 s4, s5;
	s4 =	sadd.s32 $0xE00, s5;
	s10 =	sshrl.u32 s10, $0x3  }
0xc: {  	s6 =	sadd.s32 s7, s8;
	s14 =	sadd.s32 s11, s2;
	s7 =	sadd.s32 $0x23A00, s9  }
0xd: {  	s9 =	smax.u32 s13, $0x1;
	s11 =	simm.s32 $0x3100;
	s10 =	sadd.s32 s10, s5  }
0xe: {  	s5 =	sadd.s32 $0x17600, s12;
	s12 =	sor.u32 $0x1C02, s31;
	s13 =	sshrl.u32 s14, $0x3  }
0xf: {  	s14 =	simm.s32 $0x80;
	s8 =	sadd.s32 $0x71C00, s10;
	s10 =	simm.s32 $0x2  }
.LBB2_1:
0x10: {  	[tilespmem:s3], [sflag:$0x2] =	stream.linear.gather [hbm4b:s5+s3], $0x3100, $0x38;
	[tilespmem:$0x1E500] =	vst v63  }
0x11: {  	_ =	swait.ge [sflag:s10], $0x3100  }
0x12: {  	[sflag:s10] =	ssyncset.done $0x0  }
0x13: {  	[sflag:s10] =	ssyncadd.s32 $0xFFFFCF00  }
0x14: {  	[tilespmem:s11], [sflag:$0x2] =	stream.linear.gather [hbm4b:s6+s3], $0x3100, $0x38;
	[tilespmem:$0x1E500] =	vst v63  }
0x15: {  	_ =	swait.ge [sflag:s10], $0x3100  }
0x16: {  	[sflag:s10] =	ssyncset.done $0x0  }
0x17: {  	[sflag:s10] =	ssyncadd.s32 $0xFFFFCF00  }
0x18: {  	[spmem:s13], [sflag:s12] =	dma.local [hbm:s4], $0x2800  }
0x19: {  	_ =	swait.ge [sflag:s10], $0x2800  }
0x1a: {  	[sflag:s10] =	ssyncset.done $0x0  }
0x1b: {  	[sflag:s10] =	ssyncadd.s32 $0xFFFFD800  }
0x1c: {  	s18 =	simm.s32 $0x0;
	[bflag:$0x0] =	sbarrier.arrive $0xFFFF  }
0x1d: {  	[tilespmem:s15], [sflag:$0x1] =	stream.indirect.gather [hbm4b:s7+s14], $0x80, s18, s14, $0xb8;
	[tilespmem:$0x1E500] =	vst v63  }
0x1e: {  	_ =	swait.ge [sflag:s16], $0x4000  }
0x1f: {  	[sflag:s16] =	ssyncset.done $0x0  }
0x20: {  	s31 =	simm.s32 $0x3100;
	[sflag:s16] =	ssyncadd.s32 $0xFFFFC000  }
0x21: {  	[spmem:s2] =	stream.indirect.scatter.add.f32 [tilespmem:s15], [sflag:$0x2], $0x80, s31, s14, $0xb8;
	[tilespmem:$0x1E500] =	vst v63  }
0x22: {  	_ =	swait.ge [sflag:s10], $0x4000  }
0x23: {  	s19 =	simm.s32 $0x400;
	s18 =	simm.s32 $0x200;
	[sflag:s10] =	ssyncset.done $0x0  }
.LBB2_2:
0x24: {  	s20 =	sshra.s32 s18, $0x2  }
0x25: {  	[sflag:s10] =	ssyncadd.s32 $0xFFFFC000;
	s18 =	smov.u32 s19;
	s21 =	sadd.s32 $0x200, s19  }
0x26: {  	[tilespmem:s15], [sflag:$0x1] =	stream.indirect.gather [hbm4b:s7+s14], $0x80, s20, s14, $0xb8;
	[tilespmem:$0x1E500] =	vst v63  }
0x27: {  	p0 =	sne.s32 s19, $0xC200;
	_ =	swait.ge [sflag:s16], $0x4000  }
.Ltmp0:
0x28: {  	[sflag:s16] =	ssyncset.done $0x0;
	(pc) =	sbr.rel @p0 .LBB2_2-.Ltmp0, $4  }
0x29: {  	s19 =	sadd.s32 $0x3100, s20;
	[sflag:s16] =	ssyncadd.s32 $0xFFFFC000  }
0x2a: {  	[spmem:s2] =	stream.indirect.scatter.add.f32 [tilespmem:s15], [sflag:$0x2], $0x80, s19, s14, $0xb8;
	[tilespmem:$0x1E500] =	vst v63  }
0x2b: {  	_ =	swait.ge [sflag:s10], $0x4000  }
0x2c: {  	s19 =	smov.u32 s21;
	[sflag:s10] =	ssyncset.done $0x0  }
0x2d: {  	s18 =	sshra.s32 s18, $0x2;
	[sflag:s10] =	ssyncadd.s32 $0xFFFFC000  }
0x2e: {  	[tilespmem:s15], [sflag:$0x1] =	stream.indirect.gather [hbm4b:s7+s14], $0x80, s18, s14, $0xb8;
	[tilespmem:$0x1E500] =	vst v63  }
0x2f: {  	_ =	swait.ge [sflag:s16], $0x4000  }
0x30: {  	[sflag:s16] =	ssyncset.done $0x0  }
0x31: {  	s18 =	sadd.s32 $0x3100, s18;
	[sflag:s16] =	ssyncadd.s32 $0xFFFFC000  }
0x32: {  	[spmem:s2] =	stream.indirect.scatter.add.f32 [tilespmem:s15], [sflag:$0x2], $0x80, s18, s14, $0xb8;
	[tilespmem:$0x1E500] =	vst v63  }
0x33: {  	_ =	swait.ge [sflag:s10], $0x4000  }
0x34: {  	s17 =	sadd.s32 $0x1, s17;
	[sflag:s10] =	ssyncset.done $0x0  }
0x35: {  	p0 =	sne.s32 s17, s9;
	[sflag:s10] =	ssyncadd.s32 $0xFFFFC000  }
.Ltmp1:
0x36: {  	[bflag:$0x0] =	sbarrier.arrive $0xFFFF;
	(pc) =	sbr.rel @p0 .LBB2_1-.Ltmp1, $4  }
0x37: {  	[hbm:s8], [sflag:s12] =	dma.local [spmem:s13], $0x2800  }
0x38: {  	_ =	swait.ge [sflag:s10], $0x2800  }
0x39: {  	[sflag:s10] =	ssyncset.done $0x0  }
0x3a: {  	[sflag:s10] =	ssyncadd.s32 $0xFFFFD800  }
0x3b: {  	_ =	sfence.sel $0x180000  }
0x3c: {  	[bflag:$0x0] =	sbarrier.arrive $0xFFFF  }
0x3d: {  	p0 =	sne.s32 s0, $0x0;
	_ =	strace $0x9000004A  }
0x3e: {  	s0 =	sadd.s32 @!p0 $0x100000, s1;
	[bflag:$0x2] =	sbarrier.arrive $0xFFFF  }
0x3f: {  	[sflag:s0] =	ssyncadd.tile.s32 @!p0 $0x1;
	_ =	shalt  }
.Lfunc_end2:
_tile_overlayer_lowered:
.L_overlay_start_2:
0x40: {  	(tag) =	ssettag $0x2  }
0x41: {  	s0 =	rddreg [dreg:$0x0];
	s2 =	stileid.u32  }
0x42: {  	s1 =	rddreg [dreg:$0x1];
	p0 =	sne.s32 s2, $0x0  }
0x43: {  	s3 =	rddreg [dreg:$0x2];
	[bflag:$0x3] =	sbarrier.arrive $0xFFFF;
	s2 =	simm.s32 @!p0 $0x1C02  }
0x44: {  	[timem:s3], [sflag:s2] =	dma.local @!p0 [hbm:s0], s1  }
0x45: {  	s0 =	simm.s32 @!p0 $0x2  }
0x46: {  	_ =	swait.ge @!p0 [sflag:s0], s1  }
0x47: {  	s1 =	ssub.s32 @!p0 $0x0, s1;
	[sflag:s0] =	ssyncset.done @!p0 $0x0  }
0x48: {  	[sflag:s0] =	ssyncadd.s32 @!p0 s1  }
0x49: {  	[bflag:$0x3] =	sbarrier.arrive $0xFFFF  }
0x4a: {  	_ =	shalt  }

</sc_bundles>
